<compile_context>
chip_gen: v7x
topology: tpu7x:2x2x1
jax: 0.10.2.dev20260603
libtpu: 0.0.44.dev20260713+nightly
codegen_flags: <defaults>
</compile_context>

<pallas_src>
import functools

import jax
import jax.numpy as jnp
from jax import lax
from jax.experimental import pallas as pl
from jax.experimental.pallas import tpu as pltpu
from jax.experimental.pallas import tpu_sc as plsc

C = 150
H = 224
W = 224
N = 4
NPIX = N * H * W
HBLK = 56
N_HBLK = H // HBLK

NC = 2
NS = 16
NW = NC * NS
B_PER_W = NPIX // NW
LANES = 16
N_VEC = B_PER_W // LANES
ALPHA_PAD = 160


@functools.partial(
    pl.kernel,
    mesh=plsc.VectorSubcoreMesh(core_axis_name="c", subcore_axis_name="s"),
    out_type=jax.ShapeDtypeStruct((NPIX,), jnp.float32),
    scratch_types=[
        pltpu.VMEM((B_PER_W,), jnp.int32),
        pltpu.VMEM((B_PER_W,), jnp.float32),
        pltpu.VMEM((ALPHA_PAD,), jnp.float32),
    ],
    compiler_params=pltpu.CompilerParams(needs_layout_passes=False),
)
def _sc_alpha(t_hbm, alpha_hbm, a_hbm, t_v, a_v, alpha_v):
    wid = lax.axis_index("s") * NC + lax.axis_index("c")
    base = wid * B_PER_W
    pltpu.sync_copy(t_hbm.at[pl.ds(base, B_PER_W)], t_v)
    pltpu.sync_copy(alpha_hbm, alpha_v)

    def body(i, carry):
        t16 = t_v[pl.ds(i * LANES, LANES)]
        a_v[pl.ds(i * LANES, LANES)] = plsc.load_gather(alpha_v, [t16])
        return carry

    lax.fori_loop(0, N_VEC, body, 0)
    pltpu.sync_copy(a_v, a_hbm.at[pl.ds(base, B_PER_W)])


def _focal_kernel(x_ref, t_ref, a_ref, acc_ref):
    n = pl.program_id(0)
    b = pl.program_id(1)

    @pl.when((n == 0) & (b == 0))
    def _():
        acc_ref[...] = jnp.zeros_like(acc_ref)

    x = x_ref[0]
    t = t_ref[...]
    a = a_ref[0]

    cls = jax.lax.broadcasted_iota(jnp.int32, (C, 1, 1), 0)
    xt = jnp.sum(jnp.where(cls == t, x, 0.0), axis=0)

    m = jnp.max(x, axis=0)
    s = jnp.sum(jnp.exp(x - m), axis=0)

    log_pt = xt - m - jnp.log(s)
    pt = jnp.exp(log_pt)
    q = 1.0 - pt
    loss = -a * q * q * log_pt
    acc_ref[...] += jnp.sum(loss).reshape(1, 1)


def kernel(preds, targets, alpha):
    t32 = targets.astype(jnp.int32)
    alpha_pad = jnp.concatenate(
        [alpha.reshape(C), jnp.zeros((ALPHA_PAD - C,), jnp.float32)])
    a_flat = _sc_alpha(t32.reshape(NPIX), alpha_pad)

    acc = pl.pallas_call(
        _focal_kernel,
        grid=(N, N_HBLK),
        in_specs=[
            pl.BlockSpec((1, C, HBLK, W), lambda n, b: (n, 0, b, 0)),
            pl.BlockSpec((1, HBLK, W), lambda n, b: (n, b, 0)),
            pl.BlockSpec((1, HBLK, W), lambda n, b: (n, b, 0)),
        ],
        out_specs=pl.BlockSpec((1, 1), lambda n, b: (0, 0)),
        out_shape=jax.ShapeDtypeStruct((1, 1), jnp.float32),
    )(preds, t32, a_flat.reshape(N, H, W))

    return acc[0, 0] / NPIX

# --- scband reference (transcript-rebuilt; emitter-appended) ---
"""Pipeline reference for scband-focal-loss-21835613733444 (READ-ONLY COPY).

The authoritative reference and input builder live on the scoring server;
editing this copy changes nothing except your own understanding.
"""

import jax, jax.numpy as jnp
import numpy as np

GAMMA = 2

def setup_inputs(seed: int = 0) -> dict:
    key = jax.random.key(seed)
    k1, k2 = jax.random.split(key)
    preds = jax.random.normal(k1, (4, 150, 224, 224), dtype=jnp.float32)
    targets = jax.random.randint(k2, (4, 224, 224), 0, 150, dtype=jnp.int64)
    alpha = jnp.ones((150, 1), dtype=jnp.float32)
    return {"preds": preds, "targets": targets, "alpha": alpha}

def reference(preds, targets, alpha):
    N = preds.shape[0]
    C = preds.shape[1]
    p = jnp.transpose(preds, (0, 2, 3, 1)).reshape(-1, C)
    t = targets.reshape(-1, 1)
    P = jax.nn.softmax(p, axis=1)
    log_P = jax.nn.log_softmax(p, axis=1)
    rows = jnp.arange(p.shape[0])
    class_mask = jnp.zeros_like(p).at[rows, t.reshape(-1)].set(1.0)
    a = alpha[t.reshape(-1)]
    probs = (P * class_mask).sum(1).reshape(-1, 1)
    log_probs = (log_P * class_mask).sum(1).reshape(-1, 1)
    batch_loss = -a * (1.0 - probs) ** GAMMA * log_probs
    loss = batch_loss.mean()
    return loss

if __name__ == "__main__":
    import jax
    _d = setup_inputs()
    print(jax.jit(kernel)(*tuple(_d.values())))

</pallas_src>

<mosaic_0001>
#map = affine_map<(d0, d1) -> (0)>
module attributes {stable_mosaic.version = 14 : i64} {
  func.func @_sc_alpha(%arg0: i32, %arg1: i32, %arg2: memref<200704xi32, #tpu.memory_space<hbm>>, %arg3: memref<160xf32, #tpu.memory_space<hbm>>, %arg4: memref<200704xf32, #tpu.memory_space<hbm>>, %arg5: memref<6272xi32, #tpu.memory_space<vmem>>, %arg6: memref<6272xf32, #tpu.memory_space<vmem>>, %arg7: memref<160xf32, #tpu.memory_space<vmem>>) attributes {dimension_semantics = [#tpu.dimension_semantics<core_parallel>, #tpu.dimension_semantics<subcore_parallel>], iteration_bounds = array<i64: 2, 16>, scalar_prefetch = 0 : i64, scratch_operands = 3 : i64, tpu.core_type = #tpu.core_type<sc_vector_subcore>, window_params = [{transform_indices = #map}, {transform_indices = #map}, {transform_indices = #map}]} {
    %mul3A = arith.constant 2 : i32
    %mul3A_0 = arith.muli %arg1, %mul3A : i32
    %add3A = arith.addi %mul3A_0, %arg0 : i32
    %mul3A_1 = arith.constant 6272 : i32
    %mul3A_2 = arith.muli %add3A, %mul3A_1 : i32
    "tpu.region"() ({
      %run_scoped3A = tpu.sem_alloc : memref<!tpu.dma_semaphore, #tpu.memory_space<semaphore_mem>>
      %dma_start3A = tpu.memref_slice %arg2[%mul3A_2] : memref<200704xi32, #tpu.memory_space<hbm>> -> memref<6272xi32, #tpu.memory_space<hbm>>
      %dma_start3A_8 = tpu.memref_slice %arg2[%mul3A_2] : memref<200704xi32, #tpu.memory_space<hbm>> -> memref<6272xi32, #tpu.memory_space<hbm>>
      tpu.enqueue_dma source(%dma_start3A_8 : memref<6272xi32, #tpu.memory_space<hbm>>) target(%arg5 : memref<6272xi32, #tpu.memory_space<vmem>>) target_semaphore(%run_scoped3A : memref<!tpu.dma_semaphore, #tpu.memory_space<semaphore_mem>>)
      %dma_wait3A = tpu.memref_slice %arg2[%mul3A_2] : memref<200704xi32, #tpu.memory_space<hbm>> -> memref<6272xi32, #tpu.memory_space<hbm>>
      %dma_wait3A_9 = tpu.memref_slice %arg2[%mul3A_2] : memref<200704xi32, #tpu.memory_space<hbm>> -> memref<6272xi32, #tpu.memory_space<hbm>>
      tpu.wait_dma2 semaphore(%run_scoped3A : memref<!tpu.dma_semaphore, #tpu.memory_space<semaphore_mem>>) src(%dma_wait3A_9 : memref<6272xi32, #tpu.memory_space<hbm>>) dst(%arg5 : memref<6272xi32, #tpu.memory_space<vmem>>)
      tpu.yield
    }) : () -> ()
    "tpu.region"() ({
      %run_scoped3A = tpu.sem_alloc : memref<!tpu.dma_semaphore, #tpu.memory_space<semaphore_mem>>
      tpu.enqueue_dma source(%arg3 : memref<160xf32, #tpu.memory_space<hbm>>) target(%arg7 : memref<160xf32, #tpu.memory_space<vmem>>) target_semaphore(%run_scoped3A : memref<!tpu.dma_semaphore, #tpu.memory_space<semaphore_mem>>)
      tpu.wait_dma2 semaphore(%run_scoped3A : memref<!tpu.dma_semaphore, #tpu.memory_space<semaphore_mem>>) src(%arg3 : memref<160xf32, #tpu.memory_space<hbm>>) dst(%arg7 : memref<160xf32, #tpu.memory_space<vmem>>)
      tpu.yield
    }) : () -> ()
    %scan3A = arith.constant 0 : i32
    %scan3A_3 = arith.constant 0 : i32
    %scan3A_4 = arith.constant 392 : i32
    %scan3A_5 = arith.addi %scan3A_3, %scan3A_4 : i32
    %scan3A_6 = arith.constant 1 : i32
    scf.for %scan3A_8 = %scan3A_3 to %scan3A_5 step %scan3A_6  : i32 {
      %mul3A_9 = arith.constant 16 : i32
      %mul3A_10 = arith.muli %scan3A_8, %mul3A_9 : i32
      %get3A = arith.index_cast %mul3A_10 : i32 to index
      %get3A_11 = tpu.vector_load %arg5[%get3A] {strides = array<i32>} : memref<6272xi32, #tpu.memory_space<vmem>>, vector<16xi32>,
      %gather3A = tpu.vector_load_idx %arg7[%get3A_11] : memref<160xf32, #tpu.memory_space<vmem>>[vector<16xi32>], vector<16xf32>,
      %mul3A_12 = arith.constant 16 : i32
      %mul3A_13 = arith.muli %scan3A_8, %mul3A_12 : i32
      %swap3A = arith.index_cast %mul3A_13 : i32 to index
      %swap3A_14 = tpu.vector_load %arg6[%swap3A] {strides = array<i32>} : memref<6272xf32, #tpu.memory_space<vmem>>, vector<16xf32>,
      tpu.vector_store %arg6[%swap3A], %gather3A {strides = array<i32>} : memref<6272xf32, #tpu.memory_space<vmem>>, vector<16xf32>,
    }
    %scan3A_7 = arith.constant 392 : i32
    "tpu.region"() ({
      %run_scoped3A = tpu.sem_alloc : memref<!tpu.dma_semaphore, #tpu.memory_space<semaphore_mem>>
      %dma_start3A = tpu.memref_slice %arg4[%mul3A_2] : memref<200704xf32, #tpu.memory_space<hbm>> -> memref<6272xf32, #tpu.memory_space<hbm>>
      %dma_start3A_8 = tpu.memref_slice %arg4[%mul3A_2] : memref<200704xf32, #tpu.memory_space<hbm>> -> memref<6272xf32, #tpu.memory_space<hbm>>
      tpu.enqueue_dma source(%arg6 : memref<6272xf32, #tpu.memory_space<vmem>>) target(%dma_start3A_8 : memref<6272xf32, #tpu.memory_space<hbm>>) target_semaphore(%run_scoped3A : memref<!tpu.dma_semaphore, #tpu.memory_space<semaphore_mem>>)
      %dma_wait3A = tpu.memref_slice %arg4[%mul3A_2] : memref<200704xf32, #tpu.memory_space<hbm>> -> memref<6272xf32, #tpu.memory_space<hbm>>
      %dma_wait3A_9 = tpu.memref_slice %arg4[%mul3A_2] : memref<200704xf32, #tpu.memory_space<hbm>> -> memref<6272xf32, #tpu.memory_space<hbm>>
      tpu.wait_dma2 semaphore(%run_scoped3A : memref<!tpu.dma_semaphore, #tpu.memory_space<semaphore_mem>>) src(%arg6 : memref<6272xf32, #tpu.memory_space<vmem>>) dst(%dma_wait3A_9 : memref<6272xf32, #tpu.memory_space<hbm>>)
      tpu.yield
    }) : () -> ()
    return
  }
}

module attributes {stable_mosaic.version = 14 : i64} {
  func.func @_focal_kernel(%arg0: i32, %arg1: i32, %arg2: memref<1x150x56x224xf32, #tpu.memory_space<vmem>>, %arg3: memref<1x56x224xi32, #tpu.memory_space<vmem>>, %arg4: memref<1x56x224xf32, #tpu.memory_space<vmem>>, %arg5: memref<1x1xf32, #tpu.memory_space<vmem>>) attributes {dimension_semantics = [#tpu.dimension_semantics<arbitrary>, #tpu.dimension_semantics<arbitrary>], iteration_bounds = array<i64: 4, 4>, scalar_prefetch = 0 : i64, scratch_operands = 0 : i64, tpu.core_type = #tpu.core_type<tc>, window_params = [{transform_indices = @transform_0, window_bounds = array<i64: 1, 150, 56, 224>}, {transform_indices = @transform_1, window_bounds = array<i64: 1, 56, 224>}, {transform_indices = @transform_2, window_bounds = array<i64: 1, 56, 224>}, {pipeline_mode = #tpu.pipeline_mode<synchronous>, transform_indices = @transform_3, window_bounds = array<i64: 1, 1>}]} {
    %eq3A = arith.constant 0 : i32
    %eq3A_0 = arith.cmpi eq, %arg0, %eq3A : i32
    %eq3A_1 = arith.constant 0 : i32
    %eq3A_2 = arith.cmpi eq, %arg1, %eq3A_1 : i32
    %and3A = arith.andi %eq3A_0, %eq3A_2 : i1
    %convert_element_type3A = arith.extui %and3A : i1 to i32
    %cond3A = arith.constant 0 : i32
    %cond3A_3 = arith.cmpi ne, %convert_element_type3A, %cond3A : i32
    scf.if %cond3A_3 {
      %broadcast_in_dim3A_47 = arith.constant 0.000000e+00 : f32
      %broadcast_in_dim3A_48 = vector.broadcast %broadcast_in_dim3A_47 : f32 to vector<1x1xf32>
      %swap3A_49 = arith.constant 0 : index
      %swap3A_50 = arith.constant 0 : index
      %swap3A_51 = vector.load %arg5[%swap3A_49, %swap3A_50] : memref<1x1xf32, #tpu.memory_space<vmem>>, vector<1x1xf32>
      tpu.vector_store %arg5[%swap3A_49, %swap3A_50], %broadcast_in_dim3A_48 {strides = array<i32>} : memref<1x1xf32, #tpu.memory_space<vmem>>, vector<1x1xf32>,
    } else {
    }
    %get3A = arith.constant 0 : index
    %get3A_4 = arith.constant 0 : index
    %get3A_5 = arith.constant 0 : index
    %get3A_6 = arith.constant 0 : index
    %get3A_7 = vector.load %arg2[%get3A, %get3A_4, %get3A_5, %get3A_6] : memref<1x150x56x224xf32, #tpu.memory_space<vmem>>, vector<1x150x56x224xf32>
    %get3A_8 = vector.shape_cast %get3A_7 : vector<1x150x56x224xf32> to vector<150x56x224xf32>
    %get3A_9 = arith.constant 0 : index
    %get3A_10 = arith.constant 0 : index
    %get3A_11 = arith.constant 0 : index
    %get3A_12 = vector.load %arg3[%get3A_9, %get3A_10, %get3A_11] : memref<1x56x224xi32, #tpu.memory_space<vmem>>, vector<1x56x224xi32>
    %get3A_13 = arith.constant 0 : index
    %get3A_14 = arith.constant 0 : index
    %get3A_15 = arith.constant 0 : index
    %get3A_16 = vector.load %arg4[%get3A_13, %get3A_14, %get3A_15] : memref<1x56x224xf32, #tpu.memory_space<vmem>>, vector<1x56x224xf32>
    %get3A_17 = vector.shape_cast %get3A_16 : vector<1x56x224xf32> to vector<56x224xf32>
    %iota3A = tpu.iota {dimensions = array<i32: 0>} : vector<150x1x1xi32>
    %eq3A_18 = vector.broadcast %iota3A : vector<150x1x1xi32> to vector<150x56x224xi32>
    %eq3A_19 = vector.broadcast %get3A_12 : vector<1x56x224xi32> to vector<150x56x224xi32>
    %eq3A_20 = arith.cmpi eq, %eq3A_18, %eq3A_19 : vector<150x56x224xi32>
    %jit3A = arith.constant 0.000000e+00 : f32
    %broadcast_in_dim3A = vector.broadcast %jit3A : f32 to vector<150x56x224xf32>
    %select_n3A = arith.select %eq3A_20, %get3A_8, %broadcast_in_dim3A : vector<150x56x224xi1>, vector<150x56x224xf32>
    %reduce_sum3A = arith.constant dense<0.000000e+00> : vector<56x224xf32>
    %reduce_sum3A_21 = vector.multi_reduction <add>, %select_n3A, %reduce_sum3A [0] : vector<150x56x224xf32> to vector<56x224xf32>
    %reduce_max3A = arith.constant dense<0xFF800000> : vector<56x224xf32>
    %reduce_max3A_22 = vector.multi_reduction <maximumf>, %get3A_8, %reduce_max3A [0] : vector<150x56x224xf32> to vector<56x224xf32>
    %broadcast_in_dim3A_23 = vector.shape_cast %reduce_max3A_22 : vector<56x224xf32> to vector<1x56x224xf32>
    %sub3A = vector.broadcast %broadcast_in_dim3A_23 : vector<1x56x224xf32> to vector<150x56x224xf32>
    %sub3A_24 = arith.subf %get3A_8, %sub3A : vector<150x56x224xf32>
    %exp3A = math.exp %sub3A_24 : vector<150x56x224xf32>
    %reduce_sum3A_25 = arith.constant dense<0.000000e+00> : vector<56x224xf32>
    %reduce_sum3A_26 = vector.multi_reduction <add>, %exp3A, %reduce_sum3A_25 [0] : vector<150x56x224xf32> to vector<56x224xf32>
    %sub3A_27 = arith.subf %reduce_sum3A_21, %reduce_max3A_22 : vector<56x224xf32>
    %log3A = math.log %reduce_sum3A_26 : vector<56x224xf32>
    %sub3A_28 = arith.subf %sub3A_27, %log3A : vector<56x224xf32>
    %exp3A_29 = math.exp %sub3A_28 : vector<56x224xf32>
    %sub3A_30 = arith.constant 1.000000e+00 : f32
    %sub3A_31 = vector.broadcast %sub3A_30 : f32 to vector<56x224xf32>
    %sub3A_32 = arith.subf %sub3A_31, %exp3A_29 : vector<56x224xf32>
    %neg3A = arith.constant 0.000000e+00 : f32
    %neg3A_33 = vector.broadcast %neg3A : f32 to vector<56x224xf32>
    %neg3A_34 = arith.subf %neg3A_33, %get3A_17 : vector<56x224xf32>
    %mul3A = arith.mulf %neg3A_34, %sub3A_32 : vector<56x224xf32>
    %mul3A_35 = arith.mulf %mul3A, %sub3A_32 : vector<56x224xf32>
    %mul3A_36 = arith.mulf %mul3A_35, %sub3A_28 : vector<56x224xf32>
    %get3A_37 = arith.constant 0 : index
    %get3A_38 = arith.constant 0 : index
    %get3A_39 = vector.load %arg5[%get3A_37, %get3A_38] : memref<1x1xf32, #tpu.memory_space<vmem>>, vector<1x1xf32>
    %reduce_sum3A_40 = vector.shape_cast %mul3A_36 : vector<56x224xf32> to vector<1x56x224xf32>
    %reduce_sum3A_41 = arith.constant dense<0.000000e+00> : vector<1xf32>
    %reduce_sum3A_42 = vector.multi_reduction <add>, %reduce_sum3A_40, %reduce_sum3A_41 [1, 2] : vector<1x56x224xf32> to vector<1xf32>
    %reduce_sum3A_43 = vector.shape_cast %reduce_sum3A_42 : vector<1xf32> to vector<1x1x1xf32>
    %reduce_sum3A_44 = vector.extract %reduce_sum3A_43[0, 0, 0] : f32 from vector<1x1x1xf32>
    %reshape3A = vector.broadcast %reduce_sum3A_44 : f32 to vector<1x1xf32>
    %add3A = arith.addf %get3A_39, %reshape3A : vector<1x1xf32>
    %swap3A = arith.constant 0 : index
    %swap3A_45 = arith.constant 0 : index
    %swap3A_46 = vector.load %arg5[%swap3A, %swap3A_45] : memref<1x1xf32, #tpu.memory_space<vmem>>, vector<1x1xf32>
    tpu.vector_store %arg5[%swap3A, %swap3A_45], %add3A {strides = array<i32>} : memref<1x1xf32, #tpu.memory_space<vmem>>, vector<1x1xf32>,
    return
  }
  func.func @transform_0(%arg0: i32, %arg1: i32) -> (i32, i32, i32, i32) {
    %c0_i32 = arith.constant 0 : i32
    %c0_i32_0 = arith.constant 0 : i32
    %c0_i32_1 = arith.constant 0 : i32
    return %arg0, %c0_i32, %arg1, %c0_i32_0 : i32, i32, i32, i32
  }
  func.func @transform_1(%arg0: i32, %arg1: i32) -> (i32, i32, i32) {
    %c0_i32 = arith.constant 0 : i32
    %c0_i32_0 = arith.constant 0 : i32
    return %arg0, %arg1, %c0_i32 : i32, i32, i32
  }
  func.func @transform_2(%arg0: i32, %arg1: i32) -> (i32, i32, i32) {
    %c0_i32 = arith.constant 0 : i32
    %c0_i32_0 = arith.constant 0 : i32
    return %arg0, %arg1, %c0_i32 : i32, i32, i32
  }
  func.func @transform_3(%arg0: i32, %arg1: i32) -> (i32, i32) {
    %c0_i32 = arith.constant 0 : i32
    %c0_i32_0 = arith.constant 0 : i32
    %c0_i32_1 = arith.constant 0 : i32
    return %c0_i32, %c0_i32_0 : i32, i32
  }
}

</mosaic_0001>

<sc_bundles>
// kernel: kernel.4.cloned.1.call-start
scs
__scs_entry_jumppad:
0x0: {  	(pc) =	sbr.rel $0x88, $3  }
0x1: {  	(tag) =	ssettag $0x0;
	lr =	simm.s32 $0x1  }
0x2: {  	[smem:$0x3F9E] =	sst lr;
	_ =	strace $0xD0000000  }
0x3: {  	_ = 	snop  }
0x4: {  	_ = 	snop  }
0x5: {  	_ = 	snop  }
0x6: {  	_ = 	snop  }
0x7: {  	_ = 	snop  }
__scs_overlays_trampoline_lowered:
0x8: {  	[smem:$0x3FAD] =	sst s0  }
0x9: {  	[smem:$0x3FAE] =	sst s1  }
0xa: {  	[smem:$0x3FAF] =	sst s2  }
0xb: {  	[smem:$0x3FB0] =	sst s3  }
0xc: {  	[smem:$0x3FB1] =	sst s4  }
0xd: {  	[smem:$0x3FB2] =	sst s5  }
0xe: {  	[smem:$0x3FB3] =	sst s6  }
0xf: {  	[smem:$0x3FB4] =	sst s7  }
0x10: {  	[smem:$0x3FB5] =	sst s8  }
0x11: {  	[smem:$0x3FB6] =	sst s9;
	s0 =	simm.s32 @!p0 $0x0  }
0x12: {  	s1 =	sld [smem:$0x3F9C];
	s0 =	simm.s32 @p0 $0x1  }
0x13: {  	[smem:$0x3FB7] =	sst s0;
	s0 =	simm.s32 @!p1 $0x0  }
0x14: {  	s2 =	sld [smem:$0x3F9B];
	s0 =	simm.s32 @p1 $0x1  }
0x15: {  	[smem:$0x3FB8] =	sst s0;
	s0 =	simm.s32 @!p2 $0x0  }
0x16: {  	s3 =	sld [smem:$0x3FDB];
	s0 =	simm.s32 @p2 $0x1  }
0x17: {  	s4 =	simm.s32 $0x1BF5;
	[smem:$0x3FBA] =	sst s0  }
0x18: {  	s0 =	sld [smem:$0x3F9D];
	_ =	swait.ge [sflag:s4], $0x0  }
0x19: {  	s7 =	sld [smem:$0x3F9E]  }
0x1a: {  	s8 =	sadd.s32 $0xFFFFE003, lr  }
0x1b: {  	s9 =	sadd.s32 $0xFFFFFEF7, lr;
	s5 =	simm.s32 $0xFFFFFFFF;
	p2 =	slt.u32 s8, $0xFFFFF086  }
0x1c: {  	p1 =	slt.u32 s9, $0xF7A;
	s5 =	simm.s32 @!p2 $0x0  }
0x1d: {  	s5 =	simm.s32 @p1 $0x1;
	p0 =	seq.s32 s7, s2  }
0x1e: {  	s7 =	smul.u32 @!p0 $0xF7A, s2;
	p2 =	seq.s32 @!p0 s5, $0x0  }
0x1f: {  	s9 =	smul.u32 $0xF7A, s1;
	s8 =	simm.s32 @!p0 $0x1BF5;
	p2 =	por !p2, p0  }
0x20: {  	[sflag:s8] =	ssyncset.s32 @!p0 $0xFFFFF086;
	s6 =	sadd.s32 @!p0 s3, s7;
	s7 =	simm.s32 @!p0 $0x108  }
0x21: {  	s3 =	sadd.s32 s3, s9;
	s6 =	sadd.s32 @!p0 $0x88, s6;
	s7 =	simm.s32 @p2 $0x1082  }
0x22: {  	[simem:s7], [sflag:s8] =	dma.local @!p0 [hbm:s6], $0xF7A  }
0x23: {  	s9 =	sor.u32 $0xD0000000, s2;
	s6 =	simm.s32 $0x108;
	_ =	swait.ge @!p0 [sflag:s8], $0x0  }
0x24: {  	s3 =	sadd.s32 $0x88, s3;
	s6 =	simm.s32 @!p1 $0x1082;
	[sflag:s4] =	ssyncset.s32 $0xFFFFF086  }
0x25: {  	[simem:s6], [sflag:s4] =	dma.local [hbm:s3], $0xF7A  }
0x26: {  	[smem:$0x3F9E] =	sst s1;
	(tag) =	ssettag s2;
	_ =	strace s9  }
0x27: {  	s1 =	sld [smem:$0x3FAE]  }
0x28: {  	s2 =	sld [smem:$0x3FAF]  }
0x29: {  	s4 =	sld [smem:$0x3FB1]  }
0x2a: {  	p0 =	seq.s32 s5, $0x0;
	s5 =	sld [smem:$0x3FB2]  }
0x2b: {  	s6 =	sld [smem:$0x3FB3]  }
0x2c: {  	s7 =	sld [smem:$0x3FB4]  }
0x2d: {  	s3 =	simm.s32 $0x108;
	s8 =	sld [smem:$0x3FB5]  }
0x2e: {  	s3 =	simm.s32 @!p0 $0x1082;
	s9 =	sld [smem:$0x3FB6]  }
0x2f: {  	lr =	sadd.s32 s0, s3;
	s0 =	sld [smem:$0x3FAD]  }
0x30: {  	s3 =	sld [smem:$0x3FB0]  }
0x31: {  	[smem:$0x3FB9] =	sst s10  }
0x32: {  	s10 =	sld [smem:$0x3FB7];
	_ =	sdelay $0x3  }
0x33: {  	p0 =	seq.s32 s10, $0x1;
	s10 =	sld [smem:$0x3FB9];
	_ =	sdelay $0x3  }
0x34: {  	[smem:$0x3FB9] =	sst s10  }
0x35: {  	s10 =	sld [smem:$0x3FB8];
	_ =	sdelay $0x3  }
0x36: {  	p1 =	seq.s32 s10, $0x1;
	s10 =	sld [smem:$0x3FB9];
	_ =	sdelay $0x3  }
0x37: {  	[smem:$0x3FB9] =	sst s10  }
0x38: {  	s10 =	sld [smem:$0x3FBA]  }
0x39: {  	_ = 	snop;
	(pc) =	sbr.ind lr, $3  }
0x3a: {  	_ = 	snop  }
0x3b: {  	_ = 	snop  }
0x3c: {  	p2 =	seq.s32 s10, $0x1;
	s10 =	sld [smem:$0x3FB9]  }
0x3d: {  	_ =	shalt  }
0x3e: {  	_ =	shalt  }
0x3f: {  	_ =	shalt  }
0x40: {  	_ =	shalt  }
0x41: {  	_ =	shalt  }
0x42: {  	_ =	shalt  }
0x43: {  	_ =	shalt  }
0x44: {  	_ =	shalt  }
0x45: {  	_ =	shalt  }
0x46: {  	_ =	shalt  }
0x47: {  	_ =	shalt  }
0x48: {  	_ =	shalt  }
0x49: {  	_ =	shalt  }
0x4a: {  	_ =	shalt  }
0x4b: {  	_ =	shalt  }
0x4c: {  	_ =	shalt  }
0x4d: {  	_ =	shalt  }
0x4e: {  	_ =	shalt  }
0x4f: {  	_ =	shalt  }
0x50: {  	_ =	shalt  }
0x51: {  	_ =	shalt  }
0x52: {  	_ =	shalt  }
0x53: {  	_ =	shalt  }
0x54: {  	_ =	shalt  }
0x55: {  	_ =	shalt  }
0x56: {  	_ =	shalt  }
0x57: {  	_ =	shalt  }
0x58: {  	_ =	shalt  }
0x59: {  	_ =	shalt  }
0x5a: {  	_ =	shalt  }
0x5b: {  	_ =	shalt  }
0x5c: {  	_ =	shalt  }
0x5d: {  	_ =	shalt  }
0x5e: {  	_ =	shalt  }
0x5f: {  	_ =	shalt  }
0x60: {  	_ =	shalt  }
0x61: {  	_ =	shalt  }
0x62: {  	_ =	shalt  }
0x63: {  	_ =	shalt  }
0x64: {  	_ =	shalt  }
0x65: {  	_ =	shalt  }
0x66: {  	_ =	shalt  }
0x67: {  	_ =	shalt  }
0x68: {  	_ =	shalt  }
0x69: {  	_ =	shalt  }
0x6a: {  	_ =	shalt  }
0x6b: {  	_ =	shalt  }
0x6c: {  	_ =	shalt  }
0x6d: {  	_ =	shalt  }
0x6e: {  	_ =	shalt  }
0x6f: {  	_ =	shalt  }
0x70: {  	_ =	shalt  }
0x71: {  	_ =	shalt  }
0x72: {  	_ =	shalt  }
0x73: {  	_ =	shalt  }
0x74: {  	_ =	shalt  }
0x75: {  	_ =	shalt  }
0x76: {  	_ =	shalt  }
0x77: {  	_ =	shalt  }
0x78: {  	_ =	shalt  }
0x79: {  	_ =	shalt  }
0x7a: {  	_ =	shalt  }
0x7b: {  	_ =	shalt  }
0x7c: {  	_ =	shalt  }
0x7d: {  	_ =	shalt  }
0x7e: {  	_ =	shalt  }
0x7f: {  	_ =	shalt  }
0x80: {  	_ =	shalt  }
0x81: {  	_ =	shalt  }
0x82: {  	_ =	shalt  }
0x83: {  	_ =	shalt  }
0x84: {  	_ =	shalt  }
0x85: {  	_ =	shalt  }
0x86: {  	_ =	shalt  }
0x87: {  	_ =	shalt  }
.Lfunc_end0:
.L_simem_size_0:
called_computation_lowered:
.L_overlay_start_0:
0x88: {  	s2 =	sld [smem:$0x3FD9]  }
0x89: {  	s3 =	sld [smem:$0x3FFE];
	_ =	sdelay $0x1  }
0x8a: {  	s1 =	srdreg.scid  }
0x8b: {  	s0 =	sand.u32 $0x1, s1  }
0x8c: {  	s16 =	sshll.u32 s0, $0xA;
	s2 =	sadd.s32 s3, s2  }
0x8d: {  	s2 =	sadd.s32 s2, s16  }
0x8e: {  	[smem:$0x3FC5] =	sst s2  }
0x8f: {  	_ = 	snop  }
0x90: {  	(tm) =	ssettm $0x1  }
0x91: {  	s17 =	sld [smem:$0x3FFB];
	_ =	sdelay $0x3  }
0x92: {  	_ =	strace s17  }
0x93: {  	s2 =	sld [smem:$0x3FFC];
	_ =	sdelay $0x3  }
0x94: {  	_ =	strace s2  }
0x95: {  	s2 =	sld [smem:$0x3FFD];
	_ =	sdelay $0x3  }
0x96: {  	_ =	strace s2  }
0x97: {  	_ =	strace $0x8FFFFFFF  }
0x98: {  	s18 =	sld [smem:$0x3FDB];
	_ =	sdelay $0x1  }
0x99: {  	s19 =	simm.s32 $_scs_section_size  }
0x9a: {  	s4 =	simm.s32 $_size__tile_overlayer_lowered;
	s5 =	simm.s32 $_tile_overlayer_lowered  }
0x9b: {  	s22 =	simm.s32 $0x1BFF;
	s21 =	sshll.u32 s5, $0x1;
	s2 =	sadd.s32 s19, s18  }
0x9c: {  	s6 =	simm.s32 $0x0;
	s20 =	sshll.u32 s4, $0x1;
	s4 =	sadd.s32 s21, s2  }
0x9d: {  	[timem:s6], [sflag:s22] =	dma.local [hbm:s4], s20  }
0x9e: {  	_ =	swait.ge [sflag:s22], s20  }
0x9f: {  	s3 =	ssub.s32 $0x0, s20;
	[sflag:s22] =	ssyncset.done $0x0  }
0xa0: {  	[sflag:s22] =	ssyncadd.s32 s3;
	_ =	sdelay $0x1  }
0xa1: {  	s23 =	simm.s32 $0x1B8B  }
0xa2: {  	_ =	swait.ge [sflag:s23], $0x1  }
0xa3: {  	[sflag:s23] =	ssyncset.done $0x0  }
0xa4: {  	s25 =	simm.s32 $0x1B8E;
	s24 =	sld [smem:$0x3FFE];
	[sflag:s23] =	ssyncadd.s32 $0xFFFFFFFF  }
0xa5: {  	s26 =	simm.s32 $execute0_lowered;
	[smem:$0x3FD2] =	sst s25  }
0xa6: {  	s4 =	sshll.u32 s26, $0x1;
	_ =	strace $0x80000046;
	[dreg:$0x1] =	wrdreg $0xFFFFFFFF  }
0xa7: {  	s28 =	simm.s32 $_size_execute0_lowered;
	s2 =	sadd.s32 s2, s4;
	[dreg:$0x0] =	wrdreg $0x0  }
0xa8: {  	s4 =	sshll.u32 s28, $0x1;
	[dreg:$0x2] =	wrdreg s2  }
0xa9: {  	[dreg:$0x3] =	wrdreg s4  }
0xaa: {  	[dreg:$0x4] =	wrdreg $0xC0  }
0xab: {  	_ =	task [dreg:s6], $0x5FFFF  }
0xac: {  	[dreg:$0x1] =	wrdreg $0xFFFFFFFF  }
0xad: {  	[dreg:$0x0] =	wrdreg $0x60  }
0xae: {  	[dreg:$0x2] =	wrdreg s24  }
0xaf: {  	[dreg:$0x3] =	wrdreg $0x9  }
0xb0: {  	_ =	task.clear_ibuf [dreg:s6], $0x4FFFF;
	_ =	strace $0x90000046  }
0xb1: {  	s29 =	simm.s32 $0x9;
	_ =	strace $0x80000048  }
0xb2: {  	_ =	swait.ge [sflag:s29], $0x1  }
0xb3: {  	[sflag:s29] =	ssyncadd.s32 $0xFFFFFFFF  }
0xb4: {  	_ =	strace $0x90000048  }
0xb5: {  	_ =	sfence  }
0xb6: {  	s30 =	sld [smem:$0x0];
	_ =	sdelay $0x2  }
0xb7: {  	s31 =	sshll.u32 s1, $0xD;
	s1 =	sshrl.u32 s1, $0x2  }
0xb8: {  	s3 =	sand.u32 $0x4000, s31;
	s1 =	sadd.s32 s1, s30  }
0xb9: {  	s0 =	sor.u32 s3, s0;
	s1 =	sshll.u32 s1, $0x11  }
0xba: {  	s0 =	sor.u32 s1, s0  }
0xbb: {  	s0 =	sadd.s32 $0x8F2B, s0  }
0xbc: {  	[sflag:s0] =	ssyncadd.remote.s32 $0x1  }
0xbd: {  	_ =	sfence.sel $0xFFFF  }
0xbe: {  	[dreg:$0x0] =	wrdreg $0xFFFFFFFF;
	(pc) =	sbr.abs _section_cstart, $3  }
0xbf: {  	[dreg:$0x1] =	wrdreg $0xFFFFFFFF  }
0xc0: {  	_ =	task.clear_ibuf [dreg:s6], $0x2FFFF;
	_ =	strace $0x9FFFFFFF  }
0xc1: {  	(tm) =	ssettm $0x7FFFFFFF  }
tec
execute0_lowered:
.L_overlay_start_1:
0x0: {  	(tag) =	ssettag $0x1  }
0x1: {  	s1 =	srdreg.scid;
	s0 =	stileid.u32  }
0x2: {  	s4 =	rddreg [dreg:$0x0];
	s2 =	simm.s32 $0x0;
	s8 =	simm.s32 $0x3100  }
0x3: {  	s9 =	simm.s32 $0x1880;
	s3 =	sand.u32 $0x1, s1;
	s31 =	sshll.u32 s0, $0x1  }
0x4: {  	s10 =	simm.s32 $0x0;
	s1 =	rddreg [dreg:$0x1];
	s5 =	sor.u32 s3, s31  }
0x5: {  	[smem:$0x7FF] =	sst s2;
	s6 =	ssub.s32 $0x2, s3;
	s5 =	smul.u32 $0x310, s5  }
0x6: {  	_ =	strace $0x80000047;
	s3 =	sadd.s32 $0x6800, s4;
	s7 =	sshrl.u32 s6, $0x1  }
0x7: {  	s6 =	ssub.s32 s6, s7;
	s7 =	simm.s32 $0x1;
	s5 =	sadd.s32 s5, s4  }
0x8: {  	s6 =	smax.u32 s6, $0x1;
	s4 =	sadd.s32 $0x600, s5;
	s5 =	sadd.s32 $0x6A00, s5  }
.LBB2_1:
0x9: {  	[tilespmem:s2], [sflag:$0x1] =	stream.linear.gather [hbm4b:s4+s2], $0x1880, $0x38;
	[tilespmem:$0x3200] =	vst v63  }
0xa: {  	_ =	swait.ge [sflag:s7], $0x1880  }
0xb: {  	[sflag:s7] =	ssyncset.done $0x0  }
0xc: {  	[sflag:s7] =	ssyncadd.s32 $0xFFFFE780  }
0xd: {  	[tilespmem:s8], [sflag:$0x1] =	stream.linear.gather [hbm4b:s3+s2], $0x100, $0x38;
	[tilespmem:$0x3200] =	vst v63  }
0xe: {  	_ =	swait.ge [sflag:s7], $0x100  }
0xf: {  	[sflag:s7] =	ssyncset.done $0x0  }
0x10: {  	s11 =	simm.s32 $0x0;
	[sflag:s7] =	ssyncadd.s32 $0xFFFFFF00  }
0x11: {  	v0 =	vld [tilespmem:s11+$0x0];
	_ =	sdelay $0x7  }
0x12: {  	s12 =	simm.s32 $0x10;
	s13 =	simm.s32 $0x80;
	v0 =	vld.idx.msk [tilespmem:v0+s8+$0x0], $0xffff  }
.LBB2_2:
0x13: {  	p0 =	sne.s32 s13, $0x61C0;
	v1 =	vld [tilespmem:s12+$0x0];
	_ =	sdelay $0x3  }
.Ltmp0:
0x14: {  	(pc) =	sbr.rel @p0 .LBB2_2-.Ltmp0, $2  }
0x15: {  	[tilespmem:s11+$0x1880] =	vst v0;
	s11 =	smov.u32 s12;
	_ =	sdelay $0x2  }
0x16: {  	s12 =	sshra.s32 s13, $0x2;
	s13 =	sadd.s32 $0x40, s13;
	v0 =	vld.idx.msk [tilespmem:v1+s8+$0x0], $0xffff  }
0x17: {  	v1 =	vld [tilespmem:s12+$0x0];
	_ =	sdelay $0x6  }
0x18: {  	[tilespmem:s11+$0x1880] =	vst v0  }
0x19: {  	v0 =	vld.idx.msk [tilespmem:v1+s8+$0x0], $0xffff;
	_ =	sdelay $0x2  }
0x1a: {  	s10 =	sadd.s32 $0x1, s10  }
0x1b: {  	p0 =	sne.s32 s10, s6  }
.Ltmp1:
0x1c: {  	[tilespmem:s12+$0x1880] =	vst v0;
	(pc) =	sbr.rel @p0 .LBB2_1-.Ltmp1, $4  }
0x1d: {  	[hbm4b:s5+s2] =	stream.linear.scatter [tilespmem:s9], [sflag:$0x1], $0x1880, $0x38;
	[tilespmem:$0x3200] =	vst v63  }
0x1e: {  	_ =	swait.ge [sflag:s7], $0x1880  }
0x1f: {  	[sflag:s7] =	ssyncset.done $0x0  }
0x20: {  	[sflag:s7] =	ssyncadd.s32 $0xFFFFE780  }
0x21: {  	_ =	sfence.sel $0x180000  }
0x22: {  	[bflag:$0x0] =	sbarrier.arrive $0xFFFF  }
0x23: {  	p0 =	sne.s32 s0, $0x0;
	_ =	strace $0x90000047  }
0x24: {  	s0 =	sadd.s32 @!p0 $0x100000, s1;
	[bflag:$0x2] =	sbarrier.arrive $0xFFFF  }
0x25: {  	[sflag:s0] =	ssyncadd.tile.s32 @!p0 $0x1;
	_ =	shalt  }
.Lfunc_end2:
_tile_overlayer_lowered:
.L_overlay_start_2:
0x26: {  	(tag) =	ssettag $0x2  }
0x27: {  	s0 =	rddreg [dreg:$0x0];
	s2 =	stileid.u32  }
0x28: {  	s1 =	rddreg [dreg:$0x1];
	p0 =	sne.s32 s2, $0x0  }
0x29: {  	s3 =	rddreg [dreg:$0x2];
	[bflag:$0x3] =	sbarrier.arrive $0xFFFF;
	s2 =	simm.s32 @!p0 $0x1C01  }
0x2a: {  	[timem:s3], [sflag:s2] =	dma.local @!p0 [hbm:s0], s1  }
0x2b: {  	s0 =	simm.s32 @!p0 $0x1  }
0x2c: {  	_ =	swait.ge @!p0 [sflag:s0], s1  }
0x2d: {  	s1 =	ssub.s32 @!p0 $0x0, s1;
	[sflag:s0] =	ssyncset.done @!p0 $0x0  }
0x2e: {  	[sflag:s0] =	ssyncadd.s32 @!p0 s1  }
0x2f: {  	[bflag:$0x3] =	sbarrier.arrive $0xFFFF  }
0x30: {  	_ =	shalt  }

</sc_bundles>
